<compile_context>
chip_gen: v7x
topology: tpu7x:2x2x1
jax: 0.10.2.dev20260603
libtpu: 0.0.44.dev20260713+nightly
codegen_flags: <defaults>
</compile_context>

<pallas_src>
import functools

import jax
import jax.numpy as jnp
from jax import lax
from jax.experimental import pallas as pl
from jax.experimental.pallas import tpu as pltpu
from jax.experimental.pallas import tpu_sc as plsc

SEQ_LEN = 512
CLS_ID = 101
SEP_ID = 102
PAD_ID = 0
B = 16
TOTAL = 4096
BUDGET = SEQ_LEN - 3
SPAN = SEQ_LEN
LANES = 16
STEPS = SPAN // LANES
WIN1 = 640
WIN2 = 1152

_mesh = plsc.VectorSubcoreMesh(core_axis_name="c", subcore_axis_name="s", num_cores=1)


@functools.partial(
    pl.kernel,
    mesh=_mesh,
    compiler_params=pltpu.CompilerParams(needs_layout_passes=False),
    out_type=[
        jax.ShapeDtypeStruct((B, SEQ_LEN), jnp.int32),
        jax.ShapeDtypeStruct((B, SEQ_LEN), jnp.int32),
        jax.ShapeDtypeStruct((B, SEQ_LEN), jnp.int32),
    ],
    scratch_types=[
        pltpu.VMEM((128,), jnp.int32),
        pltpu.VMEM((128,), jnp.int32),
        pltpu.VMEM((WIN1 + WIN2,), jnp.int32),
        pltpu.VMEM((SPAN,), jnp.int32),
        pltpu.VMEM((SPAN,), jnp.int32),
        pltpu.VMEM((SPAN,), jnp.int32),
        pltpu.SemaphoreType.DMA,
        pltpu.SemaphoreType.DMA,
        pltpu.SemaphoreType.DMA,
    ],
)
def _pack_kernel(tok1_hbm, cu1_hbm, tok2_hbm, cu2_hbm,
                 ids_hbm, mask_hbm, type_hbm,
                 cu1_v, cu2_v, win_v, ids_v, mask_v, type_v,
                 sem_cu, sem_tok, sem_out):
    b = lax.axis_index("s")

    hc1 = pltpu.async_copy(cu1_hbm, cu1_v.at[pl.ds(0, B + 1)], sem_cu)
    hc2 = pltpu.async_copy(cu2_hbm, cu2_v.at[pl.ds(0, B + 1)], sem_cu)
    hc1.wait()
    hc2.wait()

    bv = jnp.full((LANES,), b, jnp.int32)
    c1lo = plsc.load_gather(cu1_v, [bv])
    c1hi = plsc.load_gather(cu1_v, [bv + 1])
    c2lo = plsc.load_gather(cu2_v, [bv])
    c2hi = plsc.load_gather(cu2_v, [bv + 1])

    raw1 = jnp.max(c1lo) - 1
    raw2 = jnp.max(c2lo) - (BUDGET + 2)
    s1 = pl.multiple_of(jnp.minimum(jnp.maximum(raw1, 0) & ~7, TOTAL - WIN1), 8)
    s2 = pl.multiple_of(jnp.minimum(jnp.maximum(raw2, 0) & ~7, TOTAL - WIN2), 8)
    hw1 = pltpu.async_copy(tok1_hbm.at[pl.ds(s1, WIN1)],
                           win_v.at[pl.ds(0, WIN1)], sem_tok)
    hw2 = pltpu.async_copy(tok2_hbm.at[pl.ds(s2, WIN2)],
                           win_v.at[pl.ds(WIN1, WIN2)], sem_tok)

    len1 = c1hi - c1lo
    len2 = c2hi - c2lo
    t1 = jnp.minimum(len1, BUDGET - jnp.minimum(len2, BUDGET // 2))
    t2 = jnp.minimum(len2, BUDGET - t1)
    tsum2 = t1 + t2 + 2

    lane = lax.iota(jnp.int32, LANES)

    def _mask_body(j, _):
        p = lane + j * LANES
        mask = (p <= tsum2).astype(jnp.int32)
        tids = ((p >= t1 + 2) & (p <= tsum2)).astype(jnp.int32)
        sl = pl.ds(j * LANES, LANES)
        mask_v[sl] = mask
        type_v[sl] = tids
        return 0

    lax.fori_loop(0, STEPS, _mask_body, 0)
    out_sl = pl.ds(0, SPAN)
    hm = pltpu.async_copy(mask_v, mask_hbm.at[b, out_sl], sem_out)
    htp = pltpu.async_copy(type_v, type_hbm.at[b, out_sl], sem_out)

    hw1.wait()
    hw2.wait()

    s1v = jnp.full((LANES,), s1, jnp.int32)
    s2v = jnp.full((LANES,), s2, jnp.int32)

    def _ids_body(j, _):
        p = lane + j * LANES
        in1 = (p >= 1) & (p <= t1)
        in2 = (p >= t1 + 2) & (p <= tsum2 - 1)
        sep = (p == t1 + 1) | (p == tsum2)
        idx1 = jnp.clip(c1lo + p - 1, 0, TOTAL - 1) - s1v
        idx2 = jnp.clip(c2lo + p - t1 - 2, 0, TOTAL - 1) - s2v + WIN1
        g = plsc.load_gather(win_v, [jnp.where(in1, idx1, idx2)])
        ids = jnp.where(p == 0, CLS_ID,
              jnp.where(in1 | in2, g,
              jnp.where(sep, SEP_ID, PAD_ID))).astype(jnp.int32)
        ids_v[pl.ds(j * LANES, LANES)] = ids
        return 0

    lax.fori_loop(0, STEPS, _ids_body, 0)

    hi = pltpu.async_copy(ids_v, ids_hbm.at[b, out_sl], sem_out)
    hm.wait()
    htp.wait()
    hi.wait()


def kernel(tokens1, cu_seqlens1, tokens2, cu_seqlens2, label):
    ids, mask, type_ids = _pack_kernel(tokens1, cu_seqlens1, tokens2, cu_seqlens2)
    return (ids, mask, type_ids, label)

# --- scband reference (transcript-rebuilt; emitter-appended) ---
"""Pipeline reference for scband-bert-input-processor-16879221473299 (READ-ONLY COPY).

The authoritative reference and input builder live on the scoring server;
editing this copy changes nothing except your own understanding.
"""

import jax, jax.numpy as jnp
import numpy as np

SEQ_LEN = 512
CLS_ID = 101
SEP_ID = 102
PAD_ID = 0
VOCAB = 30522
B = 16
TOTAL = 4096


def setup_inputs(seed: int = 0) -> dict:
    key = jax.random.key(seed)
    k1, k2, k3, k4, k5 = jax.random.split(key, 5)
    tokens1 = jax.random.randint(k1, (TOTAL,), 1000, VOCAB, dtype=jnp.int32)
    tokens2 = jax.random.randint(k2, (TOTAL,), 1000, VOCAB, dtype=jnp.int32)

    def make_cu(k):
        cuts = jnp.sort(jax.random.randint(k, (B - 1,), 0, TOTAL, dtype=jnp.int32))
        return jnp.concatenate([jnp.zeros((1,), jnp.int32), cuts, jnp.full((1,), TOTAL, jnp.int32)])

    cu_seqlens1 = make_cu(k3)
    cu_seqlens2 = make_cu(k4)
    label = jax.random.normal(k5, (B,), dtype=jnp.float32)
    return {
        'tokens1': tokens1,
        'cu_seqlens1': cu_seqlens1,
        'tokens2': tokens2,
        'cu_seqlens2': cu_seqlens2,
        'label': label,
    }


def _pack(tokens1, cu1, tokens2, cu2):
    # Faithful JAX translation of tokenize + BertPackInputs:
    # per-example ragged sequences are trimmed (approx RoundRobinTrimmer via
    # fair-split-with-spillover), then packed as [CLS] s1 [SEP] s2 [SEP] + PAD.
    L = SEQ_LEN
    budget = L - 3
    len1 = cu1[1:] - cu1[:-1]
    len2 = cu2[1:] - cu2[:-1]
    t1 = jnp.minimum(len1, budget - jnp.minimum(len2, budget // 2))
    t2 = jnp.minimum(len2, budget - t1)
    p = jnp.arange(L, dtype=jnp.int32)[None, :]          # [1, L]
    t1c = t1[:, None]                                    # [B, 1]
    t2c = t2[:, None]
    in1 = (p >= 1) & (p <= t1c)
    sep1 = p == (t1c + 1)
    in2 = (p >= t1c + 2) & (p <= t1c + 1 + t2c)
    sep2 = p == (t1c + t2c + 2)
    idx1 = jnp.clip(cu1[:-1][:, None] + p - 1, 0, tokens1.shape[0] - 1)
    idx2 = jnp.clip(cu2[:-1][:, None] + p - t1c - 2, 0, tokens2.shape[0] - 1)
    g1 = jnp.take(tokens1, idx1)                         # ragged gather (SparseCore)
    g2 = jnp.take(tokens2, idx2)
    ids = jnp.where(p == 0, CLS_ID,
          jnp.where(in1, g1,
          jnp.where(sep1, SEP_ID,
          jnp.where(in2, g2,
          jnp.where(sep2, SEP_ID, PAD_ID))))).astype(jnp.int32)
    mask = (p <= t1c + t2c + 2).astype(jnp.int32)
    type_ids = ((p >= t1c + 2) & (p <= t1c + t2c + 2)).astype(jnp.int32)
    return ids, mask, type_ids


def reference(tokens1, cu_seqlens1, tokens2, cu_seqlens2, label):
    input_word_ids, input_mask, input_type_ids = _pack(tokens1, cu_seqlens1, tokens2, cu_seqlens2)
    # original returns (packed, label) when label present
    return (input_word_ids, input_mask, input_type_ids, label)

if __name__ == "__main__":
    import jax
    _d = setup_inputs()
    print(jax.jit(kernel)(*tuple(_d.values())))

</pallas_src>

<mosaic_0001>
#map = affine_map<(d0, d1) -> (0)>
#map1 = affine_map<(d0, d1) -> (0, 0)>
module attributes {stable_mosaic.version = 14 : i64} {
  func.func @_pack_kernel(%arg0: i32, %arg1: i32, %arg2: memref<4096xi32, #tpu.memory_space<hbm>>, %arg3: memref<17xi32, #tpu.memory_space<hbm>>, %arg4: memref<4096xi32, #tpu.memory_space<hbm>>, %arg5: memref<17xi32, #tpu.memory_space<hbm>>, %arg6: memref<16x512xi32, #tpu.memory_space<hbm>>, %arg7: memref<16x512xi32, #tpu.memory_space<hbm>>, %arg8: memref<16x512xi32, #tpu.memory_space<hbm>>, %arg9: memref<128xi32, #tpu.memory_space<vmem>>, %arg10: memref<128xi32, #tpu.memory_space<vmem>>, %arg11: memref<1792xi32, #tpu.memory_space<vmem>>, %arg12: memref<512xi32, #tpu.memory_space<vmem>>, %arg13: memref<512xi32, #tpu.memory_space<vmem>>, %arg14: memref<512xi32, #tpu.memory_space<vmem>>, %arg15: memref<!tpu.dma_semaphore, #tpu.memory_space<semaphore_mem>>, %arg16: memref<!tpu.dma_semaphore, #tpu.memory_space<semaphore_mem>>, %arg17: memref<!tpu.dma_semaphore, #tpu.memory_space<semaphore_mem>>) attributes {dimension_semantics = [#tpu.dimension_semantics<core_parallel>, #tpu.dimension_semantics<subcore_parallel>], iteration_bounds = array<i64: 1, 16>, scalar_prefetch = 0 : i64, scratch_operands = 9 : i64, tpu.core_type = #tpu.core_type<sc_vector_subcore>, window_params = [{transform_indices = #map}, {transform_indices = #map}, {transform_indices = #map}, {transform_indices = #map}, {transform_indices = #map1}, {transform_indices = #map1}, {transform_indices = #map1}]} {
    %dma_start3A = arith.constant 0 : i32
    %dma_start3A_0 = tpu.memref_slice %arg9[%dma_start3A] : memref<128xi32, #tpu.memory_space<vmem>> -> memref<17xi32, #tpu.memory_space<vmem>>
    %dma_start3A_1 = arith.constant 0 : i32
    %dma_start3A_2 = tpu.memref_slice %arg9[%dma_start3A_1] : memref<128xi32, #tpu.memory_space<vmem>> -> memref<17xi32, #tpu.memory_space<vmem>>
    tpu.enqueue_dma source(%arg3 : memref<17xi32, #tpu.memory_space<hbm>>) target(%dma_start3A_2 : memref<17xi32, #tpu.memory_space<vmem>>) target_semaphore(%arg15 : memref<!tpu.dma_semaphore, #tpu.memory_space<semaphore_mem>>)
    %dma_start3A_3 = arith.constant 0 : i32
    %dma_start3A_4 = tpu.memref_slice %arg10[%dma_start3A_3] : memref<128xi32, #tpu.memory_space<vmem>> -> memref<17xi32, #tpu.memory_space<vmem>>
    %dma_start3A_5 = arith.constant 0 : i32
    %dma_start3A_6 = tpu.memref_slice %arg10[%dma_start3A_5] : memref<128xi32, #tpu.memory_space<vmem>> -> memref<17xi32, #tpu.memory_space<vmem>>
    tpu.enqueue_dma source(%arg5 : memref<17xi32, #tpu.memory_space<hbm>>) target(%dma_start3A_6 : memref<17xi32, #tpu.memory_space<vmem>>) target_semaphore(%arg15 : memref<!tpu.dma_semaphore, #tpu.memory_space<semaphore_mem>>)
    %dma_wait3A = arith.constant 0 : i32
    %dma_wait3A_7 = tpu.memref_slice %arg9[%dma_wait3A] : memref<128xi32, #tpu.memory_space<vmem>> -> memref<17xi32, #tpu.memory_space<vmem>>
    %dma_wait3A_8 = arith.constant 0 : i32
    %dma_wait3A_9 = tpu.memref_slice %arg9[%dma_wait3A_8] : memref<128xi32, #tpu.memory_space<vmem>> -> memref<17xi32, #tpu.memory_space<vmem>>
    tpu.wait_dma2 semaphore(%arg15 : memref<!tpu.dma_semaphore, #tpu.memory_space<semaphore_mem>>) src(%arg3 : memref<17xi32, #tpu.memory_space<hbm>>) dst(%dma_wait3A_9 : memref<17xi32, #tpu.memory_space<vmem>>)
    %dma_wait3A_10 = arith.constant 0 : i32
    %dma_wait3A_11 = tpu.memref_slice %arg10[%dma_wait3A_10] : memref<128xi32, #tpu.memory_space<vmem>> -> memref<17xi32, #tpu.memory_space<vmem>>
    %dma_wait3A_12 = arith.constant 0 : i32
    %dma_wait3A_13 = tpu.memref_slice %arg10[%dma_wait3A_12] : memref<128xi32, #tpu.memory_space<vmem>> -> memref<17xi32, #tpu.memory_space<vmem>>
    tpu.wait_dma2 semaphore(%arg15 : memref<!tpu.dma_semaphore, #tpu.memory_space<semaphore_mem>>) src(%arg5 : memref<17xi32, #tpu.memory_space<hbm>>) dst(%dma_wait3A_13 : memref<17xi32, #tpu.memory_space<vmem>>)
    %broadcast_in_dim3A = vector.broadcast %arg1 : i32 to vector<16xi32>
    %gather3A = tpu.vector_load_idx %arg9[%broadcast_in_dim3A] : memref<128xi32, #tpu.memory_space<vmem>>[vector<16xi32>], vector<16xi32>,
    %add3A = arith.constant 1 : i32
    %add3A_14 = vector.broadcast %add3A : i32 to vector<16xi32>
    %add3A_15 = arith.addi %broadcast_in_dim3A, %add3A_14 : vector<16xi32>
    %gather3A_16 = tpu.vector_load_idx %arg9[%add3A_15] : memref<128xi32, #tpu.memory_space<vmem>>[vector<16xi32>], vector<16xi32>,
    %gather3A_17 = tpu.vector_load_idx %arg10[%broadcast_in_dim3A] : memref<128xi32, #tpu.memory_space<vmem>>[vector<16xi32>], vector<16xi32>,
    %add3A_18 = arith.constant 1 : i32
    %add3A_19 = vector.broadcast %add3A_18 : i32 to vector<16xi32>
    %add3A_20 = arith.addi %broadcast_in_dim3A, %add3A_19 : vector<16xi32>
    %gather3A_21 = tpu.vector_load_idx %arg10[%add3A_20] : memref<128xi32, #tpu.memory_space<vmem>>[vector<16xi32>], vector<16xi32>,
    %reduce_max3A = arith.constant true
    %reduce_max3A_22 = vector.broadcast %reduce_max3A : i1 to vector<16xi1>
    %reduce_max3A_23 = arith.constant -2147483648 : i32
    %reduce_max3A_24 = vector.broadcast %reduce_max3A_23 : i32 to vector<16xi32>
    %reduce_max3A_25 = arith.xori %gather3A, %reduce_max3A_24 : vector<16xi32>
    %reduce_max3A_26 = tpu.scan <max>, %reduce_max3A_25 masked %reduce_max3A_22 : vector<16xi32>, vector<16xi1> -> vector<16xi32>
    %reduce_max3A_27 = arith.xori %reduce_max3A_26, %reduce_max3A_24 : vector<16xi32>
    %reduce_max3A_28 = vector.extract %reduce_max3A_27[15] : i32 from vector<16xi32>
    %sub3A = arith.constant 1 : i32
    %sub3A_29 = arith.subi %reduce_max3A_28, %sub3A : i32
    %reduce_max3A_30 = arith.constant true
    %reduce_max3A_31 = vector.broadcast %reduce_max3A_30 : i1 to vector<16xi1>
    %reduce_max3A_32 = arith.constant -2147483648 : i32
    %reduce_max3A_33 = vector.broadcast %reduce_max3A_32 : i32 to vector<16xi32>
    %reduce_max3A_34 = arith.xori %gather3A_17, %reduce_max3A_33 : vector<16xi32>
    %reduce_max3A_35 = tpu.scan <max>, %reduce_max3A_34 masked %reduce_max3A_31 : vector<16xi32>, vector<16xi1> -> vector<16xi32>
    %reduce_max3A_36 = arith.xori %reduce_max3A_35, %reduce_max3A_33 : vector<16xi32>
    %reduce_max3A_37 = vector.extract %reduce_max3A_36[15] : i32 from vector<16xi32>
    %sub3A_38 = arith.constant 511 : i32
    %sub3A_39 = arith.subi %reduce_max3A_37, %sub3A_38 : i32
    %max3A = arith.constant 0 : i32
    %max3A_40 = arith.maxsi %sub3A_29, %max3A : i32
    %and3A = arith.constant -8 : i32
    %and3A_41 = arith.andi %max3A_40, %and3A : i32
    %min3A = arith.constant 3456 : i32
    %min3A_42 = arith.minsi %and3A_41, %min3A : i32
    %multiple_of3A = tpu.assume_multiple %min3A_42, 8 : i32
    %max3A_43 = arith.constant 0 : i32
    %max3A_44 = arith.maxsi %sub3A_39, %max3A_43 : i32
    %and3A_45 = arith.constant -8 : i32
    %and3A_46 = arith.andi %max3A_44, %and3A_45 : i32
    %min3A_47 = arith.constant 2944 : i32
    %min3A_48 = arith.minsi %and3A_46, %min3A_47 : i32
    %multiple_of3A_49 = tpu.assume_multiple %min3A_48, 8 : i32
    %dma_start3A_50 = arith.constant 0 : i32
    %dma_start3A_51 = tpu.memref_slice %arg11[%dma_start3A_50] : memref<1792xi32, #tpu.memory_space<vmem>> -> memref<640xi32, #tpu.memory_space<vmem>>
    %dma_start3A_52 = tpu.memref_slice %arg2[%multiple_of3A] : memref<4096xi32, #tpu.memory_space<hbm>> -> memref<640xi32, #tpu.memory_space<hbm>>
    %dma_start3A_53 = arith.constant 0 : i32
    %dma_start3A_54 = tpu.memref_slice %arg11[%dma_start3A_53] : memref<1792xi32, #tpu.memory_space<vmem>> -> memref<640xi32, #tpu.memory_space<vmem>>
    %dma_start3A_55 = tpu.memref_slice %arg2[%multiple_of3A] : memref<4096xi32, #tpu.memory_space<hbm>> -> memref<640xi32, #tpu.memory_space<hbm>>
    tpu.enqueue_dma source(%dma_start3A_55 : memref<640xi32, #tpu.memory_space<hbm>>) target(%dma_start3A_54 : memref<640xi32, #tpu.memory_space<vmem>>) target_semaphore(%arg16 : memref<!tpu.dma_semaphore, #tpu.memory_space<semaphore_mem>>)
    %dma_start3A_56 = arith.constant 640 : i32
    %dma_start3A_57 = tpu.memref_slice %arg11[%dma_start3A_56] : memref<1792xi32, #tpu.memory_space<vmem>> -> memref<1152xi32, #tpu.memory_space<vmem>>
    %dma_start3A_58 = tpu.memref_slice %arg4[%multiple_of3A_49] : memref<4096xi32, #tpu.memory_space<hbm>> -> memref<1152xi32, #tpu.memory_space<hbm>>
    %dma_start3A_59 = arith.constant 640 : i32
    %dma_start3A_60 = tpu.memref_slice %arg11[%dma_start3A_59] : memref<1792xi32, #tpu.memory_space<vmem>> -> memref<1152xi32, #tpu.memory_space<vmem>>
    %dma_start3A_61 = tpu.memref_slice %arg4[%multiple_of3A_49] : memref<4096xi32, #tpu.memory_space<hbm>> -> memref<1152xi32, #tpu.memory_space<hbm>>
    tpu.enqueue_dma source(%dma_start3A_61 : memref<1152xi32, #tpu.memory_space<hbm>>) target(%dma_start3A_60 : memref<1152xi32, #tpu.memory_space<vmem>>) target_semaphore(%arg16 : memref<!tpu.dma_semaphore, #tpu.memory_space<semaphore_mem>>)
    %sub3A_62 = arith.subi %gather3A_16, %gather3A : vector<16xi32>
    %sub3A_63 = arith.subi %gather3A_21, %gather3A_17 : vector<16xi32>
    %min3A_64 = arith.constant 254 : i32
    %min3A_65 = vector.broadcast %min3A_64 : i32 to vector<16xi32>
    %min3A_66 = arith.minsi %sub3A_63, %min3A_65 : vector<16xi32>
    %sub3A_67 = arith.constant 509 : i32
    %sub3A_68 = vector.broadcast %sub3A_67 : i32 to vector<16xi32>
    %sub3A_69 = arith.subi %sub3A_68, %min3A_66 : vector<16xi32>
    %min3A_70 = arith.minsi %sub3A_62, %sub3A_69 : vector<16xi32>
    %sub3A_71 = arith.constant 509 : i32
    %sub3A_72 = vector.broadcast %sub3A_71 : i32 to vector<16xi32>
    %sub3A_73 = arith.subi %sub3A_72, %min3A_70 : vector<16xi32>
    %min3A_74 = arith.minsi %sub3A_63, %sub3A_73 : vector<16xi32>
    %add3A_75 = arith.addi %min3A_70, %min3A_74 : vector<16xi32>
    %add3A_76 = arith.constant 2 : i32
    %add3A_77 = vector.broadcast %add3A_76 : i32 to vector<16xi32>
    %add3A_78 = arith.addi %add3A_75, %add3A_77 : vector<16xi32>
    %iota3A = tpu.iota {dimensions = array<i32: 0>} : vector<16xi32>
    %scan3A = arith.constant 0 : i32
    %scan3A_79 = arith.constant 0 : i32
    %scan3A_80 = arith.constant 32 : i32
    %scan3A_81 = arith.addi %scan3A_79, %scan3A_80 : i32
    %scan3A_82 = arith.constant 1 : i32
    %scan3A_83 = scf.for %scan3A_142 = %scan3A_79 to %scan3A_81 step %scan3A_82 iter_args(%scan3A_143 = %scan3A) -> (i32)  : i32 {
      %mul3A = arith.constant 16 : i32
      %mul3A_144 = arith.muli %scan3A_142, %mul3A : i32
      %add3A_145 = vector.broadcast %mul3A_144 : i32 to vector<16xi32>
      %add3A_146 = arith.addi %iota3A, %add3A_145 : vector<16xi32>
      %le3A = arith.cmpi sle, %add3A_146, %add3A_78 : vector<16xi32>
      %convert_element_type3A = arith.extui %le3A : vector<16xi1> to vector<16xi32>
      %add3A_147 = arith.constant 2 : i32
      %add3A_148 = vector.broadcast %add3A_147 : i32 to vector<16xi32>
      %add3A_149 = arith.addi %min3A_70, %add3A_148 : vector<16xi32>
      %ge3A = arith.cmpi sge, %add3A_146, %add3A_149 : vector<16xi32>
      %le3A_150 = arith.cmpi sle, %add3A_146, %add3A_78 : vector<16xi32>
      %and3A_151 = arith.andi %ge3A, %le3A_150 : vector<16xi1>
      %convert_element_type3A_152 = arith.extui %and3A_151 : vector<16xi1> to vector<16xi32>
      %mul3A_153 = arith.constant 16 : i32
      %mul3A_154 = arith.muli %scan3A_142, %mul3A_153 : i32
      %swap3A = arith.index_cast %mul3A_154 : i32 to index
      %swap3A_155 = tpu.vector_load %arg13[%swap3A] {strides = array<i32>} : memref<512xi32, #tpu.memory_space<vmem>>, vector<16xi32>,
      tpu.vector_store %arg13[%swap3A], %convert_element_type3A {strides = array<i32>} : memref<512xi32, #tpu.memory_space<vmem>>, vector<16xi32>,
      %swap3A_156 = arith.index_cast %mul3A_154 : i32 to index
      %swap3A_157 = tpu.vector_load %arg14[%swap3A_156] {strides = array<i32>} : memref<512xi32, #tpu.memory_space<vmem>>, vector<16xi32>,
      tpu.vector_store %arg14[%swap3A_156], %convert_element_type3A_152 {strides = array<i32>} : memref<512xi32, #tpu.memory_space<vmem>>, vector<16xi32>,
      %scan3A_158 = arith.constant 0 : i32
      scf.yield %scan3A_158 : i32
    }
    %scan3A_84 = arith.constant 32 : i32
    %dma_start3A_85 = arith.constant 0 : i32
    %dma_start3A_86 = tpu.memref_slice %arg7[%arg1, %dma_start3A_85] : memref<16x512xi32, #tpu.memory_space<hbm>> -> memref<1x512xi32, #tpu.memory_space<hbm>>
    %dma_start3A_87 = tpu.memref_squeeze %dma_start3A_86 : memref<1x512xi32, #tpu.memory_space<hbm>> -> memref<512xi32, #tpu.memory_space<hbm>>
    %dma_start3A_88 = arith.constant 0 : i32
    %dma_start3A_89 = tpu.memref_slice %arg7[%arg1, %dma_start3A_88] : memref<16x512xi32, #tpu.memory_space<hbm>> -> memref<1x512xi32, #tpu.memory_space<hbm>>
    %dma_start3A_90 = tpu.memref_squeeze %dma_start3A_89 : memref<1x512xi32, #tpu.memory_space<hbm>> -> memref<512xi32, #tpu.memory_space<hbm>>
    tpu.enqueue_dma source(%arg13 : memref<512xi32, #tpu.memory_space<vmem>>) target(%dma_start3A_90 : memref<512xi32, #tpu.memory_space<hbm>>) target_semaphore(%arg17 : memref<!tpu.dma_semaphore, #tpu.memory_space<semaphore_mem>>)
    %dma_start3A_91 = arith.constant 0 : i32
    %dma_start3A_92 = tpu.memref_slice %arg8[%arg1, %dma_start3A_91] : memref<16x512xi32, #tpu.memory_space<hbm>> -> memref<1x512xi32, #tpu.memory_space<hbm>>
    %dma_start3A_93 = tpu.memref_squeeze %dma_start3A_92 : memref<1x512xi32, #tpu.memory_space<hbm>> -> memref<512xi32, #tpu.memory_space<hbm>>
    %dma_start3A_94 = arith.constant 0 : i32
    %dma_start3A_95 = tpu.memref_slice %arg8[%arg1, %dma_start3A_94] : memref<16x512xi32, #tpu.memory_space<hbm>> -> memref<1x512xi32, #tpu.memory_space<hbm>>
    %dma_start3A_96 = tpu.memref_squeeze %dma_start3A_95 : memref<1x512xi32, #tpu.memory_space<hbm>> -> memref<512xi32, #tpu.memory_space<hbm>>
    tpu.enqueue_dma source(%arg14 : memref<512xi32, #tpu.memory_space<vmem>>) target(%dma_start3A_96 : memref<512xi32, #tpu.memory_space<hbm>>) target_semaphore(%arg17 : memref<!tpu.dma_semaphore, #tpu.memory_space<semaphore_mem>>)
    %dma_wait3A_97 = arith.constant 0 : i32
    %dma_wait3A_98 = tpu.memref_slice %arg11[%dma_wait3A_97] : memref<1792xi32, #tpu.memory_space<vmem>> -> memref<640xi32, #tpu.memory_space<vmem>>
    %dma_wait3A_99 = tpu.memref_slice %arg2[%multiple_of3A] : memref<4096xi32, #tpu.memory_space<hbm>> -> memref<640xi32, #tpu.memory_space<hbm>>
    %dma_wait3A_100 = arith.constant 0 : i32
    %dma_wait3A_101 = tpu.memref_slice %arg11[%dma_wait3A_100] : memref<1792xi32, #tpu.memory_space<vmem>> -> memref<640xi32, #tpu.memory_space<vmem>>
    %dma_wait3A_102 = tpu.memref_slice %arg2[%multiple_of3A] : memref<4096xi32, #tpu.memory_space<hbm>> -> memref<640xi32, #tpu.memory_space<hbm>>
    tpu.wait_dma2 semaphore(%arg16 : memref<!tpu.dma_semaphore, #tpu.memory_space<semaphore_mem>>) src(%dma_wait3A_102 : memref<640xi32, #tpu.memory_space<hbm>>) dst(%dma_wait3A_101 : memref<640xi32, #tpu.memory_space<vmem>>)
    %dma_wait3A_103 = arith.constant 640 : i32
    %dma_wait3A_104 = tpu.memref_slice %arg11[%dma_wait3A_103] : memref<1792xi32, #tpu.memory_space<vmem>> -> memref<1152xi32, #tpu.memory_space<vmem>>
    %dma_wait3A_105 = tpu.memref_slice %arg4[%multiple_of3A_49] : memref<4096xi32, #tpu.memory_space<hbm>> -> memref<1152xi32, #tpu.memory_space<hbm>>
    %dma_wait3A_106 = arith.constant 640 : i32
    %dma_wait3A_107 = tpu.memref_slice %arg11[%dma_wait3A_106] : memref<1792xi32, #tpu.memory_space<vmem>> -> memref<1152xi32, #tpu.memory_space<vmem>>
    %dma_wait3A_108 = tpu.memref_slice %arg4[%multiple_of3A_49] : memref<4096xi32, #tpu.memory_space<hbm>> -> memref<1152xi32, #tpu.memory_space<hbm>>
    tpu.wait_dma2 semaphore(%arg16 : memref<!tpu.dma_semaphore, #tpu.memory_space<semaphore_mem>>) src(%dma_wait3A_108 : memref<1152xi32, #tpu.memory_space<hbm>>) dst(%dma_wait3A_107 : memref<1152xi32, #tpu.memory_space<vmem>>)
    %broadcast_in_dim3A_109 = vector.broadcast %multiple_of3A : i32 to vector<16xi32>
    %broadcast_in_dim3A_110 = vector.broadcast %multiple_of3A_49 : i32 to vector<16xi32>
    %scan3A_111 = arith.constant 0 : i32
    %scan3A_112 = arith.constant 0 : i32
    %scan3A_113 = arith.constant 32 : i32
    %scan3A_114 = arith.addi %scan3A_112, %scan3A_113 : i32
    %scan3A_115 = arith.constant 1 : i32
    %scan3A_116 = scf.for %scan3A_142 = %scan3A_112 to %scan3A_114 step %scan3A_115 iter_args(%scan3A_143 = %scan3A_111) -> (i32)  : i32 {
      %mul3A = arith.constant 16 : i32
      %mul3A_144 = arith.muli %scan3A_142, %mul3A : i32
      %add3A_145 = vector.broadcast %mul3A_144 : i32 to vector<16xi32>
      %add3A_146 = arith.addi %iota3A, %add3A_145 : vector<16xi32>
      %ge3A = arith.constant 1 : i32
      %ge3A_147 = vector.broadcast %ge3A : i32 to vector<16xi32>
      %ge3A_148 = arith.cmpi sge, %add3A_146, %ge3A_147 : vector<16xi32>
      %le3A = arith.cmpi sle, %add3A_146, %min3A_70 : vector<16xi32>
      %and3A_149 = arith.andi %ge3A_148, %le3A : vector<16xi1>
      %add3A_150 = arith.constant 2 : i32
      %add3A_151 = vector.broadcast %add3A_150 : i32 to vector<16xi32>
      %add3A_152 = arith.addi %min3A_70, %add3A_151 : vector<16xi32>
      %ge3A_153 = arith.cmpi sge, %add3A_146, %add3A_152 : vector<16xi32>
      %sub3A_154 = arith.constant 1 : i32
      %sub3A_155 = vector.broadcast %sub3A_154 : i32 to vector<16xi32>
      %sub3A_156 = arith.subi %add3A_78, %sub3A_155 : vector<16xi32>
      %le3A_157 = arith.cmpi sle, %add3A_146, %sub3A_156 : vector<16xi32>
      %and3A_158 = arith.andi %ge3A_153, %le3A_157 : vector<16xi1>
      %add3A_159 = arith.constant 1 : i32
      %add3A_160 = vector.broadcast %add3A_159 : i32 to vector<16xi32>
      %add3A_161 = arith.addi %min3A_70, %add3A_160 : vector<16xi32>
      %eq3A = arith.cmpi eq, %add3A_146, %add3A_161 : vector<16xi32>
      %eq3A_162 = arith.cmpi eq, %add3A_146, %add3A_78 : vector<16xi32>
      %or3A = arith.ori %eq3A, %eq3A_162 : vector<16xi1>
      %add3A_163 = arith.addi %gather3A, %add3A_146 : vector<16xi32>
      %sub3A_164 = arith.constant 1 : i32
      %sub3A_165 = vector.broadcast %sub3A_164 : i32 to vector<16xi32>
      %sub3A_166 = arith.subi %add3A_163, %sub3A_165 : vector<16xi32>
      %jit3A = arith.constant 0 : i32
      %jit3A_167 = arith.constant 4095 : i32
      %max3A_168 = vector.broadcast %jit3A : i32 to vector<16xi32>
      %max3A_169 = arith.maxsi %max3A_168, %sub3A_166 : vector<16xi32>
      %min3A_170 = vector.broadcast %jit3A_167 : i32 to vector<16xi32>
      %min3A_171 = arith.minsi %min3A_170, %max3A_169 : vector<16xi32>
      %sub3A_172 = arith.subi %min3A_171, %broadcast_in_dim3A_109 : vector<16xi32>
      %add3A_173 = arith.addi %gather3A_17, %add3A_146 : vector<16xi32>
      %sub3A_174 = arith.subi %add3A_173, %min3A_70 : vector<16xi32>
      %sub3A_175 = arith.constant 2 : i32
      %sub3A_176 = vector.broadcast %sub3A_175 : i32 to vector<16xi32>
      %sub3A_177 = arith.subi %sub3A_174, %sub3A_176 : vector<16xi32>
      %jit3A_178 = arith.constant 0 : i32
      %jit3A_179 = arith.constant 4095 : i32
      %max3A_180 = vector.broadcast %jit3A_178 : i32 to vector<16xi32>
      %max3A_181 = arith.maxsi %max3A_180, %sub3A_177 : vector<16xi32>
      %min3A_182 = vector.broadcast %jit3A_179 : i32 to vector<16xi32>
      %min3A_183 = arith.minsi %min3A_182, %max3A_181 : vector<16xi32>
      %sub3A_184 = arith.subi %min3A_183, %broadcast_in_dim3A_110 : vector<16xi32>
      %add3A_185 = arith.constant 640 : i32
      %add3A_186 = vector.broadcast %add3A_185 : i32 to vector<16xi32>
      %add3A_187 = arith.addi %sub3A_184, %add3A_186 : vector<16xi32>
      %select_n3A = arith.select %and3A_149, %sub3A_172, %add3A_187 : vector<16xi1>, vector<16xi32>
      %gather3A_188 = tpu.vector_load_idx %arg11[%select_n3A] : memref<1792xi32, #tpu.memory_space<vmem>>[vector<16xi32>], vector<16xi32>,
      %eq3A_189 = arith.constant 0 : i32
      %eq3A_190 = vector.broadcast %eq3A_189 : i32 to vector<16xi32>
      %eq3A_191 = arith.cmpi eq, %add3A_146, %eq3A_190 : vector<16xi32>
      %or3A_192 = arith.ori %and3A_149, %and3A_158 : vector<16xi1>
      %jit3A_193 = arith.constant 102 : i32
      %jit3A_194 = arith.constant 0 : i32
      %broadcast_in_dim3A_195 = vector.broadcast %jit3A_193 : i32 to vector<16xi32>
      %broadcast_in_dim3A_196 = vector.broadcast %jit3A_194 : i32 to vector<16xi32>
      %select_n3A_197 = arith.select %or3A, %broadcast_in_dim3A_195, %broadcast_in_dim3A_196 : vector<16xi1>, vector<16xi32>
      %select_n3A_198 = arith.select %or3A_192, %gather3A_188, %select_n3A_197 : vector<16xi1>, vector<16xi32>
      %jit3A_199 = arith.constant 101 : i32
      %broadcast_in_dim3A_200 = vector.broadcast %jit3A_199 : i32 to vector<16xi32>
      %select_n3A_201 = arith.select %eq3A_191, %broadcast_in_dim3A_200, %select_n3A_198 : vector<16xi1>, vector<16xi32>
      %mul3A_202 = arith.constant 16 : i32
      %mul3A_203 = arith.muli %scan3A_142, %mul3A_202 : i32
      %swap3A = arith.index_cast %mul3A_203 : i32 to index
      %swap3A_204 = tpu.vector_load %arg12[%swap3A] {strides = array<i32>} : memref<512xi32, #tpu.memory_space<vmem>>, vector<16xi32>,
      tpu.vector_store %arg12[%swap3A], %select_n3A_201 {strides = array<i32>} : memref<512xi32, #tpu.memory_space<vmem>>, vector<16xi32>,
      %scan3A_205 = arith.constant 0 : i32
      scf.yield %scan3A_205 : i32
    }
    %scan3A_117 = arith.constant 32 : i32
    %dma_start3A_118 = arith.constant 0 : i32
    %dma_start3A_119 = tpu.memref_slice %arg6[%arg1, %dma_start3A_118] : memref<16x512xi32, #tpu.memory_space<hbm>> -> memref<1x512xi32, #tpu.memory_space<hbm>>
    %dma_start3A_120 = tpu.memref_squeeze %dma_start3A_119 : memref<1x512xi32, #tpu.memory_space<hbm>> -> memref<512xi32, #tpu.memory_space<hbm>>
    %dma_start3A_121 = arith.constant 0 : i32
    %dma_start3A_122 = tpu.memref_slice %arg6[%arg1, %dma_start3A_121] : memref<16x512xi32, #tpu.memory_space<hbm>> -> memref<1x512xi32, #tpu.memory_space<hbm>>
    %dma_start3A_123 = tpu.memref_squeeze %dma_start3A_122 : memref<1x512xi32, #tpu.memory_space<hbm>> -> memref<512xi32, #tpu.memory_space<hbm>>
    tpu.enqueue_dma source(%arg12 : memref<512xi32, #tpu.memory_space<vmem>>) target(%dma_start3A_123 : memref<512xi32, #tpu.memory_space<hbm>>) target_semaphore(%arg17 : memref<!tpu.dma_semaphore, #tpu.memory_space<semaphore_mem>>)
    %dma_wait3A_124 = arith.constant 0 : i32
    %dma_wait3A_125 = tpu.memref_slice %arg7[%arg1, %dma_wait3A_124] : memref<16x512xi32, #tpu.memory_space<hbm>> -> memref<1x512xi32, #tpu.memory_space<hbm>>
    %dma_wait3A_126 = tpu.memref_squeeze %dma_wait3A_125 : memref<1x512xi32, #tpu.memory_space<hbm>> -> memref<512xi32, #tpu.memory_space<hbm>>
    %dma_wait3A_127 = arith.constant 0 : i32
    %dma_wait3A_128 = tpu.memref_slice %arg7[%arg1, %dma_wait3A_127] : memref<16x512xi32, #tpu.memory_space<hbm>> -> memref<1x512xi32, #tpu.memory_space<hbm>>
    %dma_wait3A_129 = tpu.memref_squeeze %dma_wait3A_128 : memref<1x512xi32, #tpu.memory_space<hbm>> -> memref<512xi32, #tpu.memory_space<hbm>>
    tpu.wait_dma2 semaphore(%arg17 : memref<!tpu.dma_semaphore, #tpu.memory_space<semaphore_mem>>) src(%arg13 : memref<512xi32, #tpu.memory_space<vmem>>) dst(%dma_wait3A_129 : memref<512xi32, #tpu.memory_space<hbm>>)
    %dma_wait3A_130 = arith.constant 0 : i32
    %dma_wait3A_131 = tpu.memref_slice %arg8[%arg1, %dma_wait3A_130] : memref<16x512xi32, #tpu.memory_space<hbm>> -> memref<1x512xi32, #tpu.memory_space<hbm>>
    %dma_wait3A_132 = tpu.memref_squeeze %dma_wait3A_131 : memref<1x512xi32, #tpu.memory_space<hbm>> -> memref<512xi32, #tpu.memory_space<hbm>>
    %dma_wait3A_133 = arith.constant 0 : i32
    %dma_wait3A_134 = tpu.memref_slice %arg8[%arg1, %dma_wait3A_133] : memref<16x512xi32, #tpu.memory_space<hbm>> -> memref<1x512xi32, #tpu.memory_space<hbm>>
    %dma_wait3A_135 = tpu.memref_squeeze %dma_wait3A_134 : memref<1x512xi32, #tpu.memory_space<hbm>> -> memref<512xi32, #tpu.memory_space<hbm>>
    tpu.wait_dma2 semaphore(%arg17 : memref<!tpu.dma_semaphore, #tpu.memory_space<semaphore_mem>>) src(%arg14 : memref<512xi32, #tpu.memory_space<vmem>>) dst(%dma_wait3A_135 : memref<512xi32, #tpu.memory_space<hbm>>)
    %dma_wait3A_136 = arith.constant 0 : i32
    %dma_wait3A_137 = tpu.memref_slice %arg6[%arg1, %dma_wait3A_136] : memref<16x512xi32, #tpu.memory_space<hbm>> -> memref<1x512xi32, #tpu.memory_space<hbm>>
    %dma_wait3A_138 = tpu.memref_squeeze %dma_wait3A_137 : memref<1x512xi32, #tpu.memory_space<hbm>> -> memref<512xi32, #tpu.memory_space<hbm>>
    %dma_wait3A_139 = arith.constant 0 : i32
    %dma_wait3A_140 = tpu.memref_slice %arg6[%arg1, %dma_wait3A_139] : memref<16x512xi32, #tpu.memory_space<hbm>> -> memref<1x512xi32, #tpu.memory_space<hbm>>
    %dma_wait3A_141 = tpu.memref_squeeze %dma_wait3A_140 : memref<1x512xi32, #tpu.memory_space<hbm>> -> memref<512xi32, #tpu.memory_space<hbm>>
    tpu.wait_dma2 semaphore(%arg17 : memref<!tpu.dma_semaphore, #tpu.memory_space<semaphore_mem>>) src(%arg12 : memref<512xi32, #tpu.memory_space<vmem>>) dst(%dma_wait3A_141 : memref<512xi32, #tpu.memory_space<hbm>>)
    return
  }
}

</mosaic_0001>

<sc_bundles>
// kernel: kernel.3.cloned.1.call-start
scs
__scs_entry_jumppad:
0x0: {  	(pc) =	sbr.rel $0x88, $3  }
0x1: {  	(tag) =	ssettag $0x0;
	lr =	simm.s32 $0x1  }
0x2: {  	[smem:$0x3F9C] =	sst lr;
	_ =	strace $0xD0000000  }
0x3: {  	_ = 	snop  }
0x4: {  	_ = 	snop  }
0x5: {  	_ = 	snop  }
0x6: {  	_ = 	snop  }
0x7: {  	_ = 	snop  }
__scs_overlays_trampoline_lowered:
0x8: {  	[smem:$0x3FAB] =	sst s0  }
0x9: {  	[smem:$0x3FAC] =	sst s1  }
0xa: {  	[smem:$0x3FAD] =	sst s2  }
0xb: {  	[smem:$0x3FAE] =	sst s3  }
0xc: {  	[smem:$0x3FAF] =	sst s4  }
0xd: {  	[smem:$0x3FB0] =	sst s5  }
0xe: {  	[smem:$0x3FB1] =	sst s6  }
0xf: {  	[smem:$0x3FB2] =	sst s7  }
0x10: {  	[smem:$0x3FB3] =	sst s8  }
0x11: {  	[smem:$0x3FB4] =	sst s9;
	s0 =	simm.s32 @!p0 $0x0  }
0x12: {  	s1 =	sld [smem:$0x3F9A];
	s0 =	simm.s32 @p0 $0x1  }
0x13: {  	[smem:$0x3FB5] =	sst s0;
	s0 =	simm.s32 @!p1 $0x0  }
0x14: {  	s2 =	sld [smem:$0x3F99];
	s0 =	simm.s32 @p1 $0x1  }
0x15: {  	[smem:$0x3FB6] =	sst s0;
	s0 =	simm.s32 @!p2 $0x0  }
0x16: {  	s3 =	sld [smem:$0x3FDB];
	s0 =	simm.s32 @p2 $0x1  }
0x17: {  	s4 =	simm.s32 $0x1BF5;
	[smem:$0x3FB8] =	sst s0  }
0x18: {  	s0 =	sld [smem:$0x3F9B];
	_ =	swait.ge [sflag:s4], $0x0  }
0x19: {  	s7 =	sld [smem:$0x3F9C]  }
0x1a: {  	s8 =	sadd.s32 $0xFFFFE003, lr  }
0x1b: {  	s9 =	sadd.s32 $0xFFFFFEF7, lr;
	s5 =	simm.s32 $0xFFFFFFFF;
	p2 =	slt.u32 s8, $0xFFFFF086  }
0x1c: {  	p1 =	slt.u32 s9, $0xF7A;
	s5 =	simm.s32 @!p2 $0x0  }
0x1d: {  	s5 =	simm.s32 @p1 $0x1;
	p0 =	seq.s32 s7, s2  }
0x1e: {  	s7 =	smul.u32 @!p0 $0xF7A, s2;
	p2 =	seq.s32 @!p0 s5, $0x0  }
0x1f: {  	s9 =	smul.u32 $0xF7A, s1;
	s8 =	simm.s32 @!p0 $0x1BF5;
	p2 =	por !p2, p0  }
0x20: {  	[sflag:s8] =	ssyncset.s32 @!p0 $0xFFFFF086;
	s6 =	sadd.s32 @!p0 s3, s7;
	s7 =	simm.s32 @!p0 $0x108  }
0x21: {  	s3 =	sadd.s32 s3, s9;
	s6 =	sadd.s32 @!p0 $0x88, s6;
	s7 =	simm.s32 @p2 $0x1082  }
0x22: {  	[simem:s7], [sflag:s8] =	dma.local @!p0 [hbm:s6], $0xF7A  }
0x23: {  	s9 =	sor.u32 $0xD0000000, s2;
	s6 =	simm.s32 $0x108;
	_ =	swait.ge @!p0 [sflag:s8], $0x0  }
0x24: {  	s3 =	sadd.s32 $0x88, s3;
	s6 =	simm.s32 @!p1 $0x1082;
	[sflag:s4] =	ssyncset.s32 $0xFFFFF086  }
0x25: {  	[simem:s6], [sflag:s4] =	dma.local [hbm:s3], $0xF7A  }
0x26: {  	[smem:$0x3F9C] =	sst s1;
	(tag) =	ssettag s2;
	_ =	strace s9  }
0x27: {  	s1 =	sld [smem:$0x3FAC]  }
0x28: {  	s2 =	sld [smem:$0x3FAD]  }
0x29: {  	s4 =	sld [smem:$0x3FAF]  }
0x2a: {  	p0 =	seq.s32 s5, $0x0;
	s5 =	sld [smem:$0x3FB0]  }
0x2b: {  	s6 =	sld [smem:$0x3FB1]  }
0x2c: {  	s7 =	sld [smem:$0x3FB2]  }
0x2d: {  	s3 =	simm.s32 $0x108;
	s8 =	sld [smem:$0x3FB3]  }
0x2e: {  	s3 =	simm.s32 @!p0 $0x1082;
	s9 =	sld [smem:$0x3FB4]  }
0x2f: {  	lr =	sadd.s32 s0, s3;
	s0 =	sld [smem:$0x3FAB]  }
0x30: {  	s3 =	sld [smem:$0x3FAE]  }
0x31: {  	[smem:$0x3FB7] =	sst s10  }
0x32: {  	s10 =	sld [smem:$0x3FB5];
	_ =	sdelay $0x3  }
0x33: {  	p0 =	seq.s32 s10, $0x1;
	s10 =	sld [smem:$0x3FB7];
	_ =	sdelay $0x3  }
0x34: {  	[smem:$0x3FB7] =	sst s10  }
0x35: {  	s10 =	sld [smem:$0x3FB6];
	_ =	sdelay $0x3  }
0x36: {  	p1 =	seq.s32 s10, $0x1;
	s10 =	sld [smem:$0x3FB7];
	_ =	sdelay $0x3  }
0x37: {  	[smem:$0x3FB7] =	sst s10  }
0x38: {  	s10 =	sld [smem:$0x3FB8]  }
0x39: {  	_ = 	snop;
	(pc) =	sbr.ind lr, $3  }
0x3a: {  	_ = 	snop  }
0x3b: {  	_ = 	snop  }
0x3c: {  	p2 =	seq.s32 s10, $0x1;
	s10 =	sld [smem:$0x3FB7]  }
0x3d: {  	_ =	shalt  }
0x3e: {  	_ =	shalt  }
0x3f: {  	_ =	shalt  }
0x40: {  	_ =	shalt  }
0x41: {  	_ =	shalt  }
0x42: {  	_ =	shalt  }
0x43: {  	_ =	shalt  }
0x44: {  	_ =	shalt  }
0x45: {  	_ =	shalt  }
0x46: {  	_ =	shalt  }
0x47: {  	_ =	shalt  }
0x48: {  	_ =	shalt  }
0x49: {  	_ =	shalt  }
0x4a: {  	_ =	shalt  }
0x4b: {  	_ =	shalt  }
0x4c: {  	_ =	shalt  }
0x4d: {  	_ =	shalt  }
0x4e: {  	_ =	shalt  }
0x4f: {  	_ =	shalt  }
0x50: {  	_ =	shalt  }
0x51: {  	_ =	shalt  }
0x52: {  	_ =	shalt  }
0x53: {  	_ =	shalt  }
0x54: {  	_ =	shalt  }
0x55: {  	_ =	shalt  }
0x56: {  	_ =	shalt  }
0x57: {  	_ =	shalt  }
0x58: {  	_ =	shalt  }
0x59: {  	_ =	shalt  }
0x5a: {  	_ =	shalt  }
0x5b: {  	_ =	shalt  }
0x5c: {  	_ =	shalt  }
0x5d: {  	_ =	shalt  }
0x5e: {  	_ =	shalt  }
0x5f: {  	_ =	shalt  }
0x60: {  	_ =	shalt  }
0x61: {  	_ =	shalt  }
0x62: {  	_ =	shalt  }
0x63: {  	_ =	shalt  }
0x64: {  	_ =	shalt  }
0x65: {  	_ =	shalt  }
0x66: {  	_ =	shalt  }
0x67: {  	_ =	shalt  }
0x68: {  	_ =	shalt  }
0x69: {  	_ =	shalt  }
0x6a: {  	_ =	shalt  }
0x6b: {  	_ =	shalt  }
0x6c: {  	_ =	shalt  }
0x6d: {  	_ =	shalt  }
0x6e: {  	_ =	shalt  }
0x6f: {  	_ =	shalt  }
0x70: {  	_ =	shalt  }
0x71: {  	_ =	shalt  }
0x72: {  	_ =	shalt  }
0x73: {  	_ =	shalt  }
0x74: {  	_ =	shalt  }
0x75: {  	_ =	shalt  }
0x76: {  	_ =	shalt  }
0x77: {  	_ =	shalt  }
0x78: {  	_ =	shalt  }
0x79: {  	_ =	shalt  }
0x7a: {  	_ =	shalt  }
0x7b: {  	_ =	shalt  }
0x7c: {  	_ =	shalt  }
0x7d: {  	_ =	shalt  }
0x7e: {  	_ =	shalt  }
0x7f: {  	_ =	shalt  }
0x80: {  	_ =	shalt  }
0x81: {  	_ =	shalt  }
0x82: {  	_ =	shalt  }
0x83: {  	_ =	shalt  }
0x84: {  	_ =	shalt  }
0x85: {  	_ =	shalt  }
0x86: {  	_ =	shalt  }
0x87: {  	_ =	shalt  }
.Lfunc_end0:
.L_simem_size_0:
called_computation_lowered:
.L_overlay_start_0:
0x88: {  	s0 =	sld [smem:$0x3FD9]  }
0x89: {  	s1 =	sld [smem:$0x3FFE];
	_ =	sdelay $0x3  }
0x8a: {  	s0 =	sadd.s32 s1, s0  }
0x8b: {  	[smem:$0x3FC3] =	sst s0  }
0x8c: {  	_ = 	snop  }
0x8d: {  	s0 =	sld [smem:$0x3FC9]  }
0x8e: {  	s14 =	sld [smem:$0x3FD0]  }
0x8f: {  	s2 =	sld [smem:$0x3FC8]  }
0x90: {  	s3 =	sld [smem:$0x3FC7]  }
0x91: {  	s5 =	simm.s32 $0xA;
	s6 =	simm.s32 $0x10;
	s4 =	sld [smem:$0x3FC6]  }
0x92: {  	[smem:s6], [sflag:s5] =	dma.local [hbm:s14], $0x1  }
0x93: {  	_ =	swait.eq [sflag:s5], $0x1  }
0x94: {  	s15 =	sld [smem:$0x10];
	[sflag:s5] =	ssyncset.done $0x0  }
0x95: {  	s16 =	sld [smem:$0x11];
	[sflag:s5] =	ssyncadd.s32 $0xFFFFFFFF  }
0x96: {  	s17 =	sld [smem:$0x12];
	(tm) =	ssettm $0x1  }
0x97: {  	s7 =	sld [smem:$0x3FFB];
	_ =	sdelay $0x3  }
0x98: {  	_ =	strace s7  }
0x99: {  	s7 =	sld [smem:$0x3FFC];
	_ =	sdelay $0x3  }
0x9a: {  	_ =	strace s7  }
0x9b: {  	s7 =	sld [smem:$0x3FFD];
	_ =	sdelay $0x3  }
0x9c: {  	_ =	strace s7  }
0x9d: {  	_ =	strace $0x8FFFFFFF  }
0x9e: {  	s18 =	sld [smem:$0x3FDB];
	_ =	sdelay $0x1  }
0x9f: {  	s8 =	simm.s32 $_scs_section_size  }
0xa0: {  	s9 =	simm.s32 $_size__tile_overlayer_lowered;
	s10 =	simm.s32 $_tile_overlayer_lowered  }
0xa1: {  	s21 =	simm.s32 $0x1BFF;
	s20 =	sshll.u32 s10, $0x1;
	s7 =	sadd.s32 s8, s18  }
0xa2: {  	s11 =	simm.s32 $0x0;
	s19 =	sshll.u32 s9, $0x1;
	s9 =	sadd.s32 s20, s7  }
0xa3: {  	[timem:s11], [sflag:s21] =	dma.local [hbm:s9], s19  }
0xa4: {  	_ =	swait.ge [sflag:s21], s19  }
0xa5: {  	s8 =	ssub.s32 $0x0, s19;
	[sflag:s21] =	ssyncset.done $0x0  }
0xa6: {  	[sflag:s21] =	ssyncadd.s32 s8;
	_ =	sdelay $0x1  }
0xa7: {  	s22 =	simm.s32 $0x1B8B  }
0xa8: {  	_ =	swait.ge [sflag:s22], $0x1  }
0xa9: {  	[sflag:s22] =	ssyncset.done $0x0  }
0xaa: {  	s23 =	simm.s32 $0x1B8E;
	[sflag:s22] =	ssyncadd.s32 $0xFFFFFFFF  }
0xab: {  	s24 =	simm.s32 $execute0_lowered;
	[smem:$0x3FD2] =	sst s23  }
0xac: {  	s8 =	sshll.u32 s24, $0x1;
	_ =	strace $0x80000046;
	[dreg:$0x1] =	wrdreg $0xFFFFFFFF  }
0xad: {  	s25 =	simm.s32 $_size_execute0_lowered;
	s7 =	sadd.s32 s7, s8;
	[dreg:$0x0] =	wrdreg $0x0  }
0xae: {  	s8 =	sshll.u32 s25, $0x1;
	[dreg:$0x2] =	wrdreg s7  }
0xaf: {  	[dreg:$0x3] =	wrdreg s8  }
0xb0: {  	[dreg:$0x4] =	wrdreg $0xC0  }
0xb1: {  	_ =	task [dreg:s11], $0x5FFFF  }
0xb2: {  	[dreg:$0x1] =	wrdreg $0xFFFFFFFF  }
0xb3: {  	[dreg:$0x0] =	wrdreg $0x60  }
0xb4: {  	[dreg:$0x2] =	wrdreg s0  }
0xb5: {  	[dreg:$0x3] =	wrdreg s2  }
0xb6: {  	[dreg:$0x4] =	wrdreg s3  }
0xb7: {  	[dreg:$0x5] =	wrdreg s4  }
0xb8: {  	[dreg:$0x6] =	wrdreg s15  }
0xb9: {  	[dreg:$0x7] =	wrdreg s16  }
0xba: {  	[dreg:$0x8] =	wrdreg s17  }
0xbb: {  	[dreg:$0x9] =	wrdreg $0x9  }
0xbc: {  	_ =	task.clear_ibuf [dreg:s11], $0xAFFFF;
	_ =	strace $0x90000046  }
0xbd: {  	s26 =	simm.s32 $0x9;
	_ =	strace $0x80000048  }
0xbe: {  	_ =	swait.ge [sflag:s26], $0x1  }
0xbf: {  	[sflag:s26] =	ssyncadd.s32 $0xFFFFFFFF  }
0xc0: {  	_ =	strace $0x90000048  }
0xc1: {  	_ =	sfence  }
0xc2: {  	s28 =	sld [smem:$0x0];
	_ =	sdelay $0x1  }
0xc3: {  	s29 =	srdreg.scid  }
0xc4: {  	s30 =	sshll.u32 s29, $0xD;
	s31 =	sshrl.u32 s29, $0x2  }
0xc5: {  	s1 =	sand.u32 $0x1, s29;
	s2 =	sand.u32 $0x4000, s30;
	s0 =	sadd.s32 s31, s28  }
0xc6: {  	s1 =	sor.u32 s2, s1;
	s0 =	sshll.u32 s0, $0x11  }
0xc7: {  	s0 =	sor.u32 s0, s1  }
0xc8: {  	s0 =	sadd.s32 $0x8F2B, s0  }
0xc9: {  	[sflag:s0] =	ssyncadd.remote.s32 $0x1  }
0xca: {  	_ =	sfence.sel $0xFFFF  }
0xcb: {  	[dreg:$0x0] =	wrdreg $0xFFFFFFFF;
	(pc) =	sbr.abs _section_cstart, $3  }
0xcc: {  	[dreg:$0x1] =	wrdreg $0xFFFFFFFF  }
0xcd: {  	_ =	task.clear_ibuf [dreg:s11], $0x2FFFF;
	_ =	strace $0x9FFFFFFF  }
0xce: {  	(tm) =	ssettm $0x7FFFFFFF  }
0xcf: {  	_ =	shalt  }
tec
execute0_lowered:
.L_overlay_start_1:
0x0: {  	(tag) =	ssettag $0x1  }
0x1: {  	s8 =	rddreg [dreg:$0x0]  }
0x2: {  	s1 =	rddreg [dreg:$0x1]  }
0x3: {  	s3 =	rddreg [dreg:$0x2]  }
0x4: {  	s6 =	rddreg [dreg:$0x3]  }
0x5: {  	s2 =	rddreg [dreg:$0x4]  }
0x6: {  	s5 =	rddreg [dreg:$0x5]  }
0x7: {  	s4 =	rddreg [dreg:$0x6];
	s9 =	simm.s32 $0x0  }
0x8: {  	[smem:$0x7FF] =	sst s9  }
0x9: {  	s0 =	rddreg [dreg:$0x7];
	_ =	strace $0x80000047  }
0xa: {  	[tilespmem:s9], [sflag:$0x1] =	stream.linear.gather [hbm4b:s1+s9], $0x11, $0x38;
	[tilespmem:$0xE00] =	vst v63  }
0xb: {  	s7 =	simm.s32 $0x80;
	s25 =	simm.s32 $0x1  }
0xc: {  	[tilespmem:s7], [sflag:$0x1] =	stream.linear.gather [hbm4b:s6+s9], $0x11, $0x38;
	[tilespmem:$0xE00] =	vst v63  }
0xd: {  	s1 =	stileid.u32;
	_ =	swait.ge [sflag:s25], $0x11  }
0xe: {  	v0 =	vmov s1;
	[sflag:s25] =	ssyncset.done $0x0  }
0xf: {  	[sflag:s25] =	ssyncadd.s32 $0xFFFFFFEF  }
0x10: {  	_ =	swait.ge [sflag:s25], $0x11  }
0x11: {  	[sflag:s25] =	ssyncset.done $0x0  }
0x12: {  	[sflag:s25] =	ssyncadd.s32 $0xFFFFFFEF  }
0x13: {  	v5 =	vld.idx.msk [tilespmem:v0+s9+$0x0], $0xffff  }
0x14: {  	v6 =	vld.idx.msk [tilespmem:v0+s7+$0x0], $0xffff;
	_ =	sdelay $0x3  }
0x15: {  	v1 =	vxor.u32 $0x80000000, v5  }
0x16: {  	(xrf0) =	vmax.scan.msk.u32 $0xffff, v1;
	v1 =	vxor.u32 $0x80000000, v6  }
0x17: {  	(xrf0) =	vmax.scan.msk.u32 $0xffff, v1;
	_ =	sdelay $0x4  }
0x18: {  	v1, _, _ =	vpop (xrf0)  }
0x19: {  	(v2sf) =	vpush v1, $0xF;
	v1, _, _ =	vpop (xrf0)  }
0x1a: {  	(v2sf) =	vpush v1, $0xF;
	_ =	sdelay $0x2  }
0x1b: {  	v0 =	vadd.s32 $0x1, v0;
	_ =	sdelay $0x4  }
0x1c: {  	v1 =	vld.idx.msk [tilespmem:v0+s7+$0x0], $0xffff;
	_ =	sdelay $0x2  }
0x1d: {  	v0 =	vld.idx.msk [tilespmem:v0+s9+$0x0], $0xffff;
	_ =	sdelay $0x1  }
0x1e: {  	v1 =	vsub.s32 v1, v6  }
0x1f: {  	vm0 =	vlt.s32 v1, $0xFE;
	s26 =	spop (v2sf)  }
0x20: {  	v2 =	vnsel vm0, $0xFE, v1;
	s6 =	sadd.s32 $0x7FFFFFFF, s26;
	s28 =	spop (v2sf)  }
0x21: {  	v0 =	vsub.s32 v0, v5;
	v2 =	vsub.s32 $0x1FD, v2;
	p0 =	sgt.s32 s6, $0x0;
	s7 =	sadd.s32 $0x7FFFFE01, s28  }
0x22: {  	vm13 =	vlt.s32 v0, v2;
	s6 =	simm.s32 @!p0 $0x0;
	p0 =	sgt.s32 s7, $0x0  }
0x23: {  	v2 =	vsel vm13, v0, v2;
	s6 =	sand.u32 $0x7FFFFFF8, s6;
	s7 =	simm.s32 @!p0 $0x0  }
0x24: {  	v0 =	vsub.s32 $0x1FD, v2;
	s6 =	smin.u32 s6, $0xD80;
	s7 =	sand.u32 $0x7FFFFFF8, s7  }
0x25: {  	vm14 =	vlt.s32 v1, v0;
	s10 =	sshrl.u32 s6, $0x3;
	s7 =	smin.u32 s7, $0xB80  }
0x26: {  	s29 =	simm.s32 $0x100;
	v0 =	vsel vm14, v1, v0;
	s8 =	sadd.s32 s8, s10;
	s30 =	sshrl.u32 s7, $0x3  }
0x27: {  	v3 =	vlaneseq.u32;
	v8 =	vadd.s32 v2, v0;
	[tilespmem:s29], [sflag:$0x2] =	stream.linear.gather [hbm4b:s8+s9], $0x280, $0x38;
	[tilespmem:$0xE00] =	vst v63  }
0x28: {  	s31 =	simm.s32 $0x380;
	v7 =	vor.u32 s9, v3;
	v1 =	vadd.s32 $0x2, v2;
	v0 =	vadd.s32 $0x2, v8;
	s3 =	sadd.s32 s3, s30  }
0x29: {  	v4 =	vimm.s32 $0x0;
	vm1 =	vge.s32 v7, v1;
	vm15 =	vle.s32 v7, v0;
	[tilespmem:s31], [sflag:$0x2] =	stream.linear.gather [hbm4b:s3+s9], $0x480, $0x38;
	[tilespmem:$0xE00] =	vst v63  }
0x2a: {  	v7 =	vsel vm15, $0x1, v4;
	vm0 =	vmand vm1, vm15;
	s3 =	simm.s32 $0xA00  }
0x2b: {  	v9 =	vsel vm0, $0x1, v4;
	s8 =	simm.s32 $0xC00;
	[tilespmem:s3+$0x0] =	vst v7  }
0x2c: {  	s9 =	simm.s32 $0x10;
	[tilespmem:s8+$0x0] =	vst v9  }
.LBB2_1:
0x2d: {  	p0 =	sne.s32 s9, $0x1F0  }
.Ltmp0:
0x2e: {  	v7 =	vor.u32 s9, v3;
	s9 =	sadd.s32 $0x10, s9;
	(pc) =	sbr.rel @p0 .LBB2_1-.Ltmp0, $4  }
0x2f: {  	vm0 =	vle.s32 v7, v0;
	vm1 =	vge.s32 v7, v1  }
0x30: {  	s3 =	sadd.s32 $0x10, s3;
	v7 =	vsel vm0, $0x1, v4;
	vm0 =	vmand vm1, vm0  }
0x31: {  	s8 =	sadd.s32 $0x10, s8;
	v9 =	vsel vm0, $0x1, v4;
	[tilespmem:s3+$0x0] =	vst v7  }
0x32: {  	[tilespmem:s8+$0x0] =	vst v9  }
0x33: {  	v3 =	vlaneseq.u32  }
0x34: {  	v7 =	vmul.u32 $0xFFFFFFFF, v3  }
0x35: {  	s3 =	sshll.u32 s1, $0x6;
	s8 =	sshll.u32 s1, $0x4;
	v4 =	vmov s6;
	v9 =	vmov s7;
	v8 =	vadd.s32 $0x1, v8  }
0x36: {  	s24 =	simm.s32 $0x0;
	s3 =	sand.u32 $0x200, s3;
	s8 =	sand.u32 $0x70, s8;
	v11 =	vadd.s32 $0x1, v7;
	v7 =	vadd.s32 $0xFFFFFFFF, v5;
	v5 =	vsub.s32 v6, v2  }
0x37: {  	s25 =	simm.s32 $0x80;
	v12 =	vor.u32 s24, v3;
	v16 =	vmov s24;
	s3 =	sor.u32 s8, s3;
	v10 =	vadd.s32 $0xFFFFFFFE, v5  }
0x38: {  	s26 =	simm.s32 $0x400;
	s9 =	simm.s32 $0xA00;
	s5 =	sadd.s32 s5, s3;
	v5 =	vsub.s32 $0x280, v9;
	v6 =	vadd.s32 v12, v7;
	v9 =	vadd.s32 v12, v10  }
0x39: {  	vm2 =	vne.s32 v16, v3;
	[hbm4b:s5+s25] =	stream.strided.scatter [tilespmem:s9], [sflag:$0x3], $0x200, s26, s25, $0x38;
	vm0 =	vgt.s32 v6, $0x0;
	vm1 =	vgt.s32 v9, $0x0;
	[tilespmem:$0xE00] =	vst v63  }
0x3a: {  	s28 =	simm.s32 $0xC00;
	s29 =	simm.s32 $0x2;
	s4 =	sadd.s32 s4, s3;
	v5 =	vbroadcast v5, $0x0;
	v6 =	vnsel vm0, $0x0, v6;
	v9 =	vnsel vm1, $0x0, v9  }
0x3b: {  	[hbm4b:s4+s25] =	stream.strided.scatter [tilespmem:s28], [sflag:$0x3], $0x200, s26, s25, $0x38;
	vm0 =	vle.s32 v12, v2;
	v6 =	vmin.u32 v6, $0xFFF;
	v9 =	vmin.u32 v9, $0xFFF;
	[tilespmem:$0xE00] =	vst v63  }
0x3c: {  	_ =	swait.ge [sflag:s29], $0x280;
	vm0 =	vmand vm2, vm0;
	v6 =	vsub.s32 v6, v4;
	v13 =	vadd.s32 v9, v5  }
0x3d: {  	vm3 =	vle.s32 v12, v8;
	vm1 =	vge.s32 v12, v1;
	[sflag:s29] =	ssyncset.done $0x0;
	v14 =	vsel vm0, v6, v13  }
0x3e: {  	s30 =	simm.s32 $0x10;
	vm6 =	veq.s32 v12, v0;
	vm1 =	vmand vm1, vm3;
	[sflag:s29] =	ssyncadd.s32 $0xFFFFFD80  }
0x3f: {  	v9 =	vadd.s32 v11, v2;
	v11 =	vmov s30;
	v6 =	vimm.s32 $0x0;
	_ =	swait.ge [sflag:s29], $0x480  }
0x40: {  	v13 =	vor.u32 s30, v3;
	vm4 =	veq.s32 v16, v9;
	vm0 =	vmmov vm0;
	[sflag:s29] =	ssyncset.done $0x0  }
0x41: {  	s4 =	simm.s32 $0x100;
	vm7 =	vne.s32 v11, v3;
	v15 =	vadd.s32 v13, v7;
	v17 =	vadd.s32 v13, v10;
	[sflag:s29] =	ssyncadd.s32 $0xFFFFFB80  }
0x42: {  	vm3 =	vmor vm4, vm6;
	vm2 =	vgt.s32 v15, $0x0;
	vm5 =	vgt.s32 v17, $0x0;
	v18 =	vld.idx.msk [tilespmem:v14+s4+$0x0], $0xffff  }
0x43: {  	vm0 =	vmor vm0, vm1;
	v12 =	vnsel vm2, $0x0, v15;
	v14 =	vnsel vm5, $0x0, v17  }
0x44: {  	vm2 =	vle.s32 v13, v2;
	v12 =	vmin.u32 v12, $0xFFF;
	v14 =	vmin.u32 v14, $0xFFF  }
0x45: {  	vm2 =	vmand vm7, vm2;
	v12 =	vsub.s32 v12, v4;
	v14 =	vadd.s32 v14, v5  }
0x46: {  	s31 =	simm.s32 $0x20;
	vm1 =	vle.s32 v13, v8;
	v17 =	vsel vm3, $0x66, v6;
	v15 =	vsel vm2, v12, v14  }
0x47: {  	vm3 =	veq.s32 v16, v3;
	v12 =	vmov s31;
	v16 =	vsel vm0, v18, v17  }
0x48: {  	s6 =	simm.s32 $0x30;
	s5 =	simm.s32 $0x800;
	v14 =	vor.u32 s31, v3;
	vm0 =	vge.s32 v13, v1;
	v16 =	vsel vm3, $0x65, v16  }
.LBB2_3:
0x49: {  	v17 =	vadd.s32 v14, v7  }
0x4a: {  	p0 =	sne.s32 s6, $0x1F0;
	v18 =	vadd.s32 v14, v10;
	vm3 =	veq.s32 v11, v9;
	[tilespmem:s5+$0x0] =	vst v16;
	vm4 =	vmmov vm2  }
0x4b: {  	vm6 =	veq.s32 v13, v0;
	v13 =	vmovc v14;
	vm2 =	vgt.s32 v17, $0x0;
	vm5 =	vgt.s32 v18, $0x0;
	v16 =	vld.idx.msk [tilespmem:v15+s4+$0x0], $0xffff  }
0x4c: {  	vm7 =	vne.s32 v12, v3;
	v14 =	vnsel vm2, $0x0, v17;
	v15 =	vnsel vm5, $0x0, v18  }
0x4d: {  	vm2 =	vle.s32 v13, v2;
	v14 =	vmin.u32 v14, $0xFFF;
	v15 =	vmin.u32 v15, $0xFFF  }
.Ltmp1:
0x4e: {  	vm2 =	vmand vm7, vm2;
	v14 =	vsub.s32 v14, v4;
	v15 =	vadd.s32 v15, v5;
	(pc) =	sbr.rel @p0 .LBB2_3-.Ltmp1, $4  }
0x4f: {  	vm0 =	vmand vm0, vm1;
	vm1 =	vmor vm3, vm6;
	v15 =	vsel vm2, v14, v15  }
0x50: {  	vm0 =	vmor vm4, vm0;
	v17 =	vmov s6;
	v18 =	vsel vm1, $0x66, v6  }
0x51: {  	vm3 =	veq.s32 v11, v3;
	v11 =	vmovc v12;
	v12 =	vmovc v17;
	v14 =	vor.u32 s6, v3;
	v16 =	vsel vm0, v16, v18  }
0x52: {  	s5 =	sadd.s32 $0x10, s5;
	vm1 =	vle.s32 v13, v8;
	s6 =	sadd.s32 $0x10, s6;
	vm0 =	vge.s32 v13, v1;
	v16 =	vsel vm3, $0x65, v16  }
0x53: {  	_ = 	snop  }
0x54: {  	v7 =	vadd.s32 v14, v7  }
0x55: {  	v10 =	vadd.s32 v14, v10;
	vm3 =	veq.s32 v11, v9;
	vm2 =	vmmov vm2  }
0x56: {  	[tilespmem:s5+$0x0] =	vst v16;
	vm6 =	veq.s32 v13, v0;
	vm4 =	vgt.s32 v7, $0x0;
	vm5 =	vgt.s32 v10, $0x0  }
0x57: {  	vm7 =	vne.s32 v12, v3;
	v58 =	vld.idx.msk [tilespmem:v15+s4+$0x0], $0xffff;
	v7 =	vnsel vm4, $0x0, v7;
	v10 =	vnsel vm5, $0x0, v10  }
0x58: {  	vm15 =	vle.s32 v14, v2;
	v59 =	vmin.u32 v7, $0xFFF;
	v60 =	vmin.u32 v10, $0xFFF  }
0x59: {  	vm4 =	vmand vm7, vm15;
	v2 =	vsub.s32 v59, v4;
	v61 =	vadd.s32 v60, v5  }
0x5a: {  	vm0 =	vmand vm0, vm1;
	vm8 =	vmor vm3, vm6;
	v2 =	vsel vm4, v2, v61  }
0x5b: {  	vm0 =	vmor vm2, vm0;
	v62 =	vsel vm8, $0x66, v6  }
0x5c: {  	vm9 =	veq.s32 v11, v3;
	v4 =	vsel vm0, v58, v62  }
0x5d: {  	s25 =	sadd.s32 $0x10, s5;
	v4 =	vsel vm9, $0x65, v4  }
0x5e: {  	[tilespmem:s25+$0x0] =	vst v4  }
0x5f: {  	v2 =	vld.idx.msk [tilespmem:v2+s4+$0x0], $0xffff  }
0x60: {  	vm10 =	vge.s32 v14, v1  }
0x61: {  	vm11 =	vle.s32 v14, v8;
	vm12 =	veq.s32 v12, v9;
	vm13 =	veq.s32 v14, v0  }
0x62: {  	vm14 =	vmor vm12, vm13;
	vm4 =	vmmov vm4;
	vm0 =	vmand vm10, vm11  }
0x63: {  	v63 =	vsel vm14, $0x66, v6;
	vm0 =	vmor vm4, vm0  }
0x64: {  	vm15 =	veq.s32 v12, v3;
	v0 =	vsel vm0, v2, v63  }
0x65: {  	s2 =	sadd.s32 s2, s3;
	s28 =	simm.s32 $0x80;
	s26 =	sadd.s32 $0x10, s25;
	v0 =	vsel vm15, $0x65, v0  }
0x66: {  	s29 =	simm.s32 $0x400;
	s30 =	simm.s32 $0x800;
	s31 =	simm.s32 $0x3;
	[tilespmem:s26+$0x0] =	vst v0  }
0x67: {  	[hbm4b:s2+s28] =	stream.strided.scatter [tilespmem:s30], [sflag:$0x3], $0x200, s29, s28, $0x38;
	[tilespmem:$0xE00] =	vst v63  }
0x68: {  	_ =	swait.ge [sflag:s31], $0x200  }
0x69: {  	[sflag:s31] =	ssyncset.done $0x0  }
0x6a: {  	[sflag:s31] =	ssyncadd.s32 $0xFFFFFE00  }
0x6b: {  	_ =	swait.ge [sflag:s31], $0x200  }
0x6c: {  	[sflag:s31] =	ssyncset.done $0x0  }
0x6d: {  	[sflag:s31] =	ssyncadd.s32 $0xFFFFFE00  }
0x6e: {  	_ =	swait.ge [sflag:s31], $0x200  }
0x6f: {  	[sflag:s31] =	ssyncset.done $0x0  }
0x70: {  	[sflag:s31] =	ssyncadd.s32 $0xFFFFFE00  }
0x71: {  	_ =	sfence.sel $0x180000  }
0x72: {  	[bflag:$0x0] =	sbarrier.arrive $0xFFFF  }
0x73: {  	p0 =	sne.s32 s1, $0x0;
	_ =	strace $0x90000047  }
0x74: {  	s0 =	sadd.s32 @!p0 $0x100000, s0;
	[bflag:$0x2] =	sbarrier.arrive $0xFFFF  }
0x75: {  	[sflag:s0] =	ssyncadd.tile.s32 @!p0 $0x1;
	_ =	shalt  }
.Lfunc_end2:
_tile_overlayer_lowered:
.L_overlay_start_2:
0x76: {  	(tag) =	ssettag $0x2  }
0x77: {  	s0 =	rddreg [dreg:$0x0];
	s2 =	stileid.u32  }
0x78: {  	s1 =	rddreg [dreg:$0x1];
	p0 =	sne.s32 s2, $0x0  }
0x79: {  	s3 =	rddreg [dreg:$0x2];
	[bflag:$0x3] =	sbarrier.arrive $0xFFFF;
	s2 =	simm.s32 @!p0 $0x1C04  }
0x7a: {  	[timem:s3], [sflag:s2] =	dma.local @!p0 [hbm:s0], s1  }
0x7b: {  	s0 =	simm.s32 @!p0 $0x4  }
0x7c: {  	_ =	swait.ge @!p0 [sflag:s0], s1  }
0x7d: {  	s1 =	ssub.s32 @!p0 $0x0, s1;
	[sflag:s0] =	ssyncset.done @!p0 $0x0  }
0x7e: {  	[sflag:s0] =	ssyncadd.s32 @!p0 s1  }
0x7f: {  	[bflag:$0x3] =	sbarrier.arrive $0xFFFF  }
0x80: {  	_ =	shalt  }

</sc_bundles>
